<compile_context>
chip_gen: v7x
topology: tpu7x:2x2x1
jax: 0.10.2.dev20260603
libtpu: 0.0.44.dev20260713+nightly
codegen_flags: <defaults>
</compile_context>

<pallas_src>
import functools

import jax
import jax.numpy as jnp
from jax import lax
from jax.experimental import pallas as pl
from jax.experimental.pallas import tpu as pltpu
from jax.experimental.pallas import tpu_sc as plsc

_YES = 3
_NO = 9
_ANS = 1842
_EPS = 1e-07
_LANES = 16
_FILL = -10000.0
_LN2 = 0.6931471805599453
_SQRT2 = 1.4142135623730951

_SLICE = 128
_NFULL = _ANS // _SLICE
_TAIL = _ANS - _NFULL * _SLICE


def _vlog(x):
    xi = lax.bitcast_convert_type(x, jnp.int32)
    e = lax.shift_right_arithmetic(xi, 23) - 127
    mi = lax.bitwise_or(lax.bitwise_and(xi, jnp.int32(0x7FFFFF)),
                        jnp.int32(0x3F800000))
    m = lax.bitcast_convert_type(mi, jnp.float32)
    big = m > jnp.float32(_SQRT2)
    m = jnp.where(big, m * 0.5, m)
    e = jnp.where(big, e + 1, e)
    s = (m - 1.0) / (m + 1.0)
    z = s * s
    p = 2.0 * s * (1.0 + z * (1.0 / 3.0 + z * (1.0 / 5.0 + z * (1.0 / 7.0
                   + z * (1.0 / 9.0)))))
    return e.astype(jnp.float32) * jnp.float32(_LN2) + p


def _sc_body(a_hbm, out_hbm, a_vm, buf_vm, sem):
    sid = lax.axis_index("s")
    fill = jnp.full((_LANES,), _FILL, jnp.float32)

    @pl.when(sid == 0)
    def _():
        pltpu.async_copy(a_hbm, a_vm.at[pl.ds(0, 1)], sem).start()

    for i in range(_SLICE // _LANES):
        buf_vm[pl.ds(i * _LANES, _LANES)] = fill

    @pl.when(sid == 0)
    def _():
        pltpu.make_async_copy(a_hbm, a_vm.at[pl.ds(0, 1)], sem).wait()
        raw = a_vm[...]
        a = lax.gather(
            raw, jnp.zeros((_LANES, 1), jnp.int32),
            lax.GatherDimensionNumbers(offset_dims=(),
                                       collapsed_slice_dims=(0,),
                                       start_index_map=(0,)),
            slice_sizes=(1,),
            mode=lax.GatherScatterMode.PROMISE_IN_BOUNDS)
        lo = jnp.float32(_EPS)
        hi = jnp.float32(1.0 - _EPS)
        p = jnp.clip(a, lo, hi)
        pn = jnp.clip(1.0 - a, lo, hi)
        lane = lax.iota(jnp.int32, _LANES)
        is_yes = lane == _YES
        is_no = lane == _NO
        one = jnp.full((_LANES,), 1.0, jnp.float32)
        num = jnp.where(is_yes, p, jnp.where(is_no, pn, one))
        den = jnp.where(is_yes, 1.0 - p, jnp.where(is_no, 1.0 - pn, one))
        logits = _vlog(num / den)
        chunk0 = jnp.where(jnp.logical_or(is_yes, is_no), logits, fill)
        buf_vm[pl.ds(0, _LANES)] = chunk0

    @pl.when(sid < _NFULL)
    def _():
        pltpu.sync_copy(buf_vm.at[pl.ds(0, _SLICE)],
                        out_hbm.at[0, pl.ds(sid * _SLICE, _SLICE)])

    @pl.when(sid == _NFULL)
    def _():
        pltpu.sync_copy(buf_vm.at[pl.ds(0, _TAIL)],
                        out_hbm.at[0, pl.ds(_NFULL * _SLICE, _TAIL)])


_launch = functools.partial(
    pl.kernel,
    out_type=jax.ShapeDtypeStruct((1, _ANS), jnp.float32),
    mesh=plsc.VectorSubcoreMesh(core_axis_name="c", subcore_axis_name="s",
                                num_cores=1),
    scratch_types=[
        pltpu.VMEM((_LANES,), jnp.float32),
        pltpu.VMEM((_SLICE,), jnp.float32),
        pltpu.SemaphoreType.DMA,
    ],
)(_sc_body)


def kernel(att1, att2, txt, vis):
    del att2, txt, vis
    return _launch(att1)

# --- scband reference (transcript-rebuilt; emitter-appended) ---
"""Pipeline reference for scband-answer-logic-14731737825777 (READ-ONLY COPY).

The authoritative reference and input builder live on the scoring server;
editing this copy changes nothing except your own understanding.
"""

import jax, jax.numpy as jnp
import numpy as np

# Constants mirroring labels loaded from trainval_ans2label.json in the original code.
# yes/no are fixed answer-vocab indices (< 1842); chosen as representative constants.
YES = 3
NO = 9
ANS = 1842
EPS = 1e-07

def _logit(p):
    # torch.logit(p, eps): clamp p to [eps, 1-eps], then log(p/(1-p))
    p = jnp.clip(p, EPS, 1.0 - EPS)
    return jnp.log(p / (1.0 - p))

def setup_inputs(seed: int = 0) -> dict:
    key = jax.random.key(seed)
    k1, k2, k3, k4 = jax.random.split(key, 4)
    att1 = jax.random.uniform(k1, (1,), dtype=jnp.float32)
    att2 = jax.random.uniform(k2, (1,), dtype=jnp.float32)
    txt = jax.random.normal(k3, (1, 768), dtype=jnp.float32)
    vis = jax.random.normal(k4, (1, 2048), dtype=jnp.float32)
    return {"att1": att1, "att2": att2, "txt": txt, "vis": vis}

def reference(att1, att2, txt, vis):
    a = att1[0]
    output = jnp.full((1, ANS), -10000.0, dtype=jnp.float32)
    output = output.at[0, YES].set(_logit(a))
    output = output.at[0, NO].set(_logit(1.0 - a))
    return output

if __name__ == "__main__":
    import jax
    _d = setup_inputs()
    print(jax.jit(kernel)(*tuple(_d.values())))

</pallas_src>

<mosaic_0001>
#map = affine_map<(d0, d1) -> (0)>
#map1 = affine_map<(d0, d1) -> (0, 0)>
module attributes {stable_mosaic.version = 14 : i64} {
  func.func @_sc_body(%arg0: i32, %arg1: i32, %arg2: memref<1xf32, #tpu.memory_space<hbm>>, %arg3: memref<1x1842xf32, #tpu.memory_space<hbm>>, %arg4: memref<16xf32, #tpu.memory_space<vmem>>, %arg5: memref<128xf32, #tpu.memory_space<vmem>>, %arg6: memref<!tpu.dma_semaphore, #tpu.memory_space<semaphore_mem>>) attributes {dimension_semantics = [#tpu.dimension_semantics<core_parallel>, #tpu.dimension_semantics<subcore_parallel>], iteration_bounds = array<i64: 1, 16>, scalar_prefetch = 0 : i64, scratch_operands = 3 : i64, tpu.core_type = #tpu.core_type<sc_vector_subcore>, window_params = [{transform_indices = #map}, {transform_indices = #map1}]} {
    %broadcast_in_dim3A = arith.constant -1.000000e+04 : f32
    %broadcast_in_dim3A_0 = vector.broadcast %broadcast_in_dim3A : f32 to vector<16xf32>
    %eq3A = arith.constant 0 : i32
    %eq3A_1 = arith.cmpi eq, %arg1, %eq3A : i32
    %convert_element_type3A = arith.extui %eq3A_1 : i1 to i32
    %cond3A = arith.constant 0 : i32
    %cond3A_2 = arith.cmpi ne, %convert_element_type3A, %cond3A : i32
    scf.if %cond3A_2 {
      %dma_start3A = arith.constant 0 : i32
      %dma_start3A_48 = tpu.memref_slice %arg4[%dma_start3A] : memref<16xf32, #tpu.memory_space<vmem>> -> memref<1xf32, #tpu.memory_space<vmem>>
      %dma_start3A_49 = arith.constant 0 : i32
      %dma_start3A_50 = tpu.memref_slice %arg4[%dma_start3A_49] : memref<16xf32, #tpu.memory_space<vmem>> -> memref<1xf32, #tpu.memory_space<vmem>>
      tpu.enqueue_dma source(%arg2 : memref<1xf32, #tpu.memory_space<hbm>>) target(%dma_start3A_50 : memref<1xf32, #tpu.memory_space<vmem>>) target_semaphore(%arg6 : memref<!tpu.dma_semaphore, #tpu.memory_space<semaphore_mem>>)
      %dma_start3A_51 = arith.constant 0 : i32
      %dma_start3A_52 = tpu.memref_slice %arg4[%dma_start3A_51] : memref<16xf32, #tpu.memory_space<vmem>> -> memref<1xf32, #tpu.memory_space<vmem>>
      %dma_start3A_53 = arith.constant 0 : i32
      %dma_start3A_54 = tpu.memref_slice %arg4[%dma_start3A_53] : memref<16xf32, #tpu.memory_space<vmem>> -> memref<1xf32, #tpu.memory_space<vmem>>
      tpu.enqueue_dma source(%arg2 : memref<1xf32, #tpu.memory_space<hbm>>) target(%dma_start3A_54 : memref<1xf32, #tpu.memory_space<vmem>>) target_semaphore(%arg6 : memref<!tpu.dma_semaphore, #tpu.memory_space<semaphore_mem>>)
    } else {
    }
    %swap3A = arith.constant 0 : index
    %swap3A_3 = tpu.vector_load %arg5[%swap3A] {strides = array<i32>} : memref<128xf32, #tpu.memory_space<vmem>>, vector<16xf32>,
    %swap3A_4 = vector.shape_cast %swap3A_3 : vector<16xf32> to vector<16xf32>
    %swap3A_5 = vector.shape_cast %broadcast_in_dim3A_0 : vector<16xf32> to vector<16xf32>
    tpu.vector_store %arg5[%swap3A], %swap3A_5 {strides = array<i32>} : memref<128xf32, #tpu.memory_space<vmem>>, vector<16xf32>,
    %swap3A_6 = arith.constant 16 : index
    %swap3A_7 = tpu.vector_load %arg5[%swap3A_6] {strides = array<i32>} : memref<128xf32, #tpu.memory_space<vmem>>, vector<16xf32>,
    %swap3A_8 = vector.shape_cast %swap3A_7 : vector<16xf32> to vector<16xf32>
    %swap3A_9 = vector.shape_cast %broadcast_in_dim3A_0 : vector<16xf32> to vector<16xf32>
    tpu.vector_store %arg5[%swap3A_6], %swap3A_9 {strides = array<i32>} : memref<128xf32, #tpu.memory_space<vmem>>, vector<16xf32>,
    %swap3A_10 = arith.constant 32 : index
    %swap3A_11 = tpu.vector_load %arg5[%swap3A_10] {strides = array<i32>} : memref<128xf32, #tpu.memory_space<vmem>>, vector<16xf32>,
    %swap3A_12 = vector.shape_cast %swap3A_11 : vector<16xf32> to vector<16xf32>
    %swap3A_13 = vector.shape_cast %broadcast_in_dim3A_0 : vector<16xf32> to vector<16xf32>
    tpu.vector_store %arg5[%swap3A_10], %swap3A_13 {strides = array<i32>} : memref<128xf32, #tpu.memory_space<vmem>>, vector<16xf32>,
    %swap3A_14 = arith.constant 48 : index
    %swap3A_15 = tpu.vector_load %arg5[%swap3A_14] {strides = array<i32>} : memref<128xf32, #tpu.memory_space<vmem>>, vector<16xf32>,
    %swap3A_16 = vector.shape_cast %swap3A_15 : vector<16xf32> to vector<16xf32>
    %swap3A_17 = vector.shape_cast %broadcast_in_dim3A_0 : vector<16xf32> to vector<16xf32>
    tpu.vector_store %arg5[%swap3A_14], %swap3A_17 {strides = array<i32>} : memref<128xf32, #tpu.memory_space<vmem>>, vector<16xf32>,
    %swap3A_18 = arith.constant 64 : index
    %swap3A_19 = tpu.vector_load %arg5[%swap3A_18] {strides = array<i32>} : memref<128xf32, #tpu.memory_space<vmem>>, vector<16xf32>,
    %swap3A_20 = vector.shape_cast %swap3A_19 : vector<16xf32> to vector<16xf32>
    %swap3A_21 = vector.shape_cast %broadcast_in_dim3A_0 : vector<16xf32> to vector<16xf32>
    tpu.vector_store %arg5[%swap3A_18], %swap3A_21 {strides = array<i32>} : memref<128xf32, #tpu.memory_space<vmem>>, vector<16xf32>,
    %swap3A_22 = arith.constant 80 : index
    %swap3A_23 = tpu.vector_load %arg5[%swap3A_22] {strides = array<i32>} : memref<128xf32, #tpu.memory_space<vmem>>, vector<16xf32>,
    %swap3A_24 = vector.shape_cast %swap3A_23 : vector<16xf32> to vector<16xf32>
    %swap3A_25 = vector.shape_cast %broadcast_in_dim3A_0 : vector<16xf32> to vector<16xf32>
    tpu.vector_store %arg5[%swap3A_22], %swap3A_25 {strides = array<i32>} : memref<128xf32, #tpu.memory_space<vmem>>, vector<16xf32>,
    %swap3A_26 = arith.constant 96 : index
    %swap3A_27 = tpu.vector_load %arg5[%swap3A_26] {strides = array<i32>} : memref<128xf32, #tpu.memory_space<vmem>>, vector<16xf32>,
    %swap3A_28 = vector.shape_cast %swap3A_27 : vector<16xf32> to vector<16xf32>
    %swap3A_29 = vector.shape_cast %broadcast_in_dim3A_0 : vector<16xf32> to vector<16xf32>
    tpu.vector_store %arg5[%swap3A_26], %swap3A_29 {strides = array<i32>} : memref<128xf32, #tpu.memory_space<vmem>>, vector<16xf32>,
    %swap3A_30 = arith.constant 112 : index
    %swap3A_31 = tpu.vector_load %arg5[%swap3A_30] {strides = array<i32>} : memref<128xf32, #tpu.memory_space<vmem>>, vector<16xf32>,
    %swap3A_32 = vector.shape_cast %swap3A_31 : vector<16xf32> to vector<16xf32>
    %swap3A_33 = vector.shape_cast %broadcast_in_dim3A_0 : vector<16xf32> to vector<16xf32>
    tpu.vector_store %arg5[%swap3A_30], %swap3A_33 {strides = array<i32>} : memref<128xf32, #tpu.memory_space<vmem>>, vector<16xf32>,
    %eq3A_34 = arith.constant 0 : i32
    %eq3A_35 = arith.cmpi eq, %arg1, %eq3A_34 : i32
    %convert_element_type3A_36 = arith.extui %eq3A_35 : i1 to i32
    %cond3A_37 = arith.constant 0 : i32
    %cond3A_38 = arith.cmpi ne, %convert_element_type3A_36, %cond3A_37 : i32
    scf.if %cond3A_38 {
      %dma_wait3A = arith.constant 0 : i32
      %dma_wait3A_48 = tpu.memref_slice %arg4[%dma_wait3A] : memref<16xf32, #tpu.memory_space<vmem>> -> memref<1xf32, #tpu.memory_space<vmem>>
      %dma_wait3A_49 = arith.constant 0 : i32
      %dma_wait3A_50 = tpu.memref_slice %arg4[%dma_wait3A_49] : memref<16xf32, #tpu.memory_space<vmem>> -> memref<1xf32, #tpu.memory_space<vmem>>
      tpu.wait_dma2 semaphore(%arg6 : memref<!tpu.dma_semaphore, #tpu.memory_space<semaphore_mem>>) src(%arg2 : memref<1xf32, #tpu.memory_space<hbm>>) dst(%dma_wait3A_50 : memref<1xf32, #tpu.memory_space<vmem>>)
      %get3A = arith.constant 0 : index
      %get3A_51 = tpu.vector_load %arg4[%get3A] {strides = array<i32>} : memref<16xf32, #tpu.memory_space<vmem>>, vector<16xf32>,
      %get3A_52 = vector.shape_cast %get3A_51 : vector<16xf32> to vector<16xf32>
      %broadcast_in_dim3A_53 = arith.constant 0 : i32
      %broadcast_in_dim3A_54 = vector.broadcast %broadcast_in_dim3A_53 : i32 to vector<16x1xi32>
      %gather3A = vector.shape_cast %broadcast_in_dim3A_54 : vector<16x1xi32> to vector<16xi32>
      %gather3A_55 = tpu.dynamic_gather %get3A_52[%gather3A] in [0] : vector<16xf32>, vector<16xi32> -> vector<16xf32>
      %jit3A = arith.constant 1.000000e-07 : f32
      %jit3A_56 = arith.constant 0.99999988 : f32
      %max3A = vector.broadcast %jit3A : f32 to vector<16xf32>
      %max3A_57 = arith.maximumf %max3A, %gather3A_55 : vector<16xf32>
      %min3A = vector.broadcast %jit3A_56 : f32 to vector<16xf32>
      %min3A_58 = arith.minimumf %min3A, %max3A_57 : vector<16xf32>
      %sub3A = arith.constant 1.000000e+00 : f32
      %sub3A_59 = vector.broadcast %sub3A : f32 to vector<16xf32>
      %sub3A_60 = arith.subf %sub3A_59, %gather3A_55 : vector<16xf32>
      %jit3A_61 = arith.constant 1.000000e-07 : f32
      %jit3A_62 = arith.constant 0.99999988 : f32
      %max3A_63 = vector.broadcast %jit3A_61 : f32 to vector<16xf32>
      %max3A_64 = arith.maximumf %max3A_63, %sub3A_60 : vector<16xf32>
      %min3A_65 = vector.broadcast %jit3A_62 : f32 to vector<16xf32>
      %min3A_66 = arith.minimumf %min3A_65, %max3A_64 : vector<16xf32>
      %iota3A = tpu.iota {dimensions = array<i32: 0>} : vector<16xi32>
      %eq3A_67 = arith.constant 3 : i32
      %eq3A_68 = vector.broadcast %eq3A_67 : i32 to vector<16xi32>
      %eq3A_69 = arith.cmpi eq, %iota3A, %eq3A_68 : vector<16xi32>
      %eq3A_70 = arith.constant 9 : i32
      %eq3A_71 = vector.broadcast %eq3A_70 : i32 to vector<16xi32>
      %eq3A_72 = arith.cmpi eq, %iota3A, %eq3A_71 : vector<16xi32>
      %broadcast_in_dim3A_73 = arith.constant 1.000000e+00 : f32
      %broadcast_in_dim3A_74 = vector.broadcast %broadcast_in_dim3A_73 : f32 to vector<16xf32>
      %select_n3A = arith.select %eq3A_72, %min3A_66, %broadcast_in_dim3A_74 : vector<16xi1>, vector<16xf32>
      %select_n3A_75 = arith.select %eq3A_69, %min3A_58, %select_n3A : vector<16xi1>, vector<16xf32>
      %sub3A_76 = arith.constant 1.000000e+00 : f32
      %sub3A_77 = vector.broadcast %sub3A_76 : f32 to vector<16xf32>
      %sub3A_78 = arith.subf %sub3A_77, %min3A_58 : vector<16xf32>
      %sub3A_79 = arith.constant 1.000000e+00 : f32
      %sub3A_80 = vector.broadcast %sub3A_79 : f32 to vector<16xf32>
      %sub3A_81 = arith.subf %sub3A_80, %min3A_66 : vector<16xf32>
      %select_n3A_82 = arith.select %eq3A_72, %sub3A_81, %broadcast_in_dim3A_74 : vector<16xi1>, vector<16xf32>
      %select_n3A_83 = arith.select %eq3A_69, %sub3A_78, %select_n3A_82 : vector<16xi1>, vector<16xf32>
      %div3A = arith.divf %select_n3A_75, %select_n3A_83 : vector<16xf32>
      %bitcast_convert_type3A = tpu.bitcast %div3A : vector<16xf32> -> vector<16xi32>
      %shift_right_arithmetic3A = arith.constant 23 : i32
      %shift_right_arithmetic3A_84 = vector.broadcast %shift_right_arithmetic3A : i32 to vector<16xi32>
      %shift_right_arithmetic3A_85 = arith.shrsi %bitcast_convert_type3A, %shift_right_arithmetic3A_84 : vector<16xi32>
      %sub3A_86 = arith.constant 127 : i32
      %sub3A_87 = vector.broadcast %sub3A_86 : i32 to vector<16xi32>
      %sub3A_88 = arith.subi %shift_right_arithmetic3A_85, %sub3A_87 : vector<16xi32>
      %and3A = arith.constant 8388607 : i32
      %and3A_89 = vector.broadcast %and3A : i32 to vector<16xi32>
      %and3A_90 = arith.andi %bitcast_convert_type3A, %and3A_89 : vector<16xi32>
      %or3A = arith.constant 1065353216 : i32
      %or3A_91 = vector.broadcast %or3A : i32 to vector<16xi32>
      %or3A_92 = arith.ori %and3A_90, %or3A_91 : vector<16xi32>
      %bitcast_convert_type3A_93 = tpu.bitcast %or3A_92 : vector<16xi32> -> vector<16xf32>
      %gt3A = arith.constant 1.41421354 : f32
      %gt3A_94 = vector.broadcast %gt3A : f32 to vector<16xf32>
      %gt3A_95 = arith.cmpf ogt, %bitcast_convert_type3A_93, %gt3A_94 : vector<16xf32>
      %mul3A = arith.constant 5.000000e-01 : f32
      %mul3A_96 = vector.broadcast %mul3A : f32 to vector<16xf32>
      %mul3A_97 = arith.mulf %bitcast_convert_type3A_93, %mul3A_96 : vector<16xf32>
      %select_n3A_98 = arith.select %gt3A_95, %mul3A_97, %bitcast_convert_type3A_93 : vector<16xi1>, vector<16xf32>
      %add3A = arith.constant 1 : i32
      %add3A_99 = vector.broadcast %add3A : i32 to vector<16xi32>
      %add3A_100 = arith.addi %sub3A_88, %add3A_99 : vector<16xi32>
      %select_n3A_101 = arith.select %gt3A_95, %add3A_100, %sub3A_88 : vector<16xi1>, vector<16xi32>
      %sub3A_102 = arith.constant 1.000000e+00 : f32
      %sub3A_103 = vector.broadcast %sub3A_102 : f32 to vector<16xf32>
      %sub3A_104 = arith.subf %select_n3A_98, %sub3A_103 : vector<16xf32>
      %add3A_105 = arith.constant 1.000000e+00 : f32
      %add3A_106 = vector.broadcast %add3A_105 : f32 to vector<16xf32>
      %add3A_107 = arith.addf %select_n3A_98, %add3A_106 : vector<16xf32>
      %div3A_108 = arith.divf %sub3A_104, %add3A_107 : vector<16xf32>
      %mul3A_109 = arith.mulf %div3A_108, %div3A_108 : vector<16xf32>
      %mul3A_110 = arith.constant 2.000000e+00 : f32
      %mul3A_111 = vector.broadcast %mul3A_110 : f32 to vector<16xf32>
      %mul3A_112 = arith.mulf %mul3A_111, %div3A_108 : vector<16xf32>
      %mul3A_113 = arith.constant 0.111111112 : f32
      %mul3A_114 = vector.broadcast %mul3A_113 : f32 to vector<16xf32>
      %mul3A_115 = arith.mulf %mul3A_109, %mul3A_114 : vector<16xf32>
      %add3A_116 = arith.constant 0.142857149 : f32
      %add3A_117 = vector.broadcast %add3A_116 : f32 to vector<16xf32>
      %add3A_118 = arith.addf %add3A_117, %mul3A_115 : vector<16xf32>
      %mul3A_119 = arith.mulf %mul3A_109, %add3A_118 : vector<16xf32>
      %add3A_120 = arith.constant 2.000000e-01 : f32
      %add3A_121 = vector.broadcast %add3A_120 : f32 to vector<16xf32>
      %add3A_122 = arith.addf %add3A_121, %mul3A_119 : vector<16xf32>
      %mul3A_123 = arith.mulf %mul3A_109, %add3A_122 : vector<16xf32>
      %add3A_124 = arith.constant 0.333333343 : f32
      %add3A_125 = vector.broadcast %add3A_124 : f32 to vector<16xf32>
      %add3A_126 = arith.addf %add3A_125, %mul3A_123 : vector<16xf32>
      %mul3A_127 = arith.mulf %mul3A_109, %add3A_126 : vector<16xf32>
      %add3A_128 = arith.constant 1.000000e+00 : f32
      %add3A_129 = vector.broadcast %add3A_128 : f32 to vector<16xf32>
      %add3A_130 = arith.addf %add3A_129, %mul3A_127 : vector<16xf32>
      %mul3A_131 = arith.mulf %mul3A_112, %add3A_130 : vector<16xf32>
      %convert_element_type3A_132 = arith.sitofp %select_n3A_101 : vector<16xi32> to vector<16xf32>
      %mul3A_133 = arith.constant 0.693147182 : f32
      %mul3A_134 = vector.broadcast %mul3A_133 : f32 to vector<16xf32>
      %mul3A_135 = arith.mulf %convert_element_type3A_132, %mul3A_134 : vector<16xf32>
      %add3A_136 = arith.addf %mul3A_135, %mul3A_131 : vector<16xf32>
      %or3A_137 = arith.ori %eq3A_69, %eq3A_72 : vector<16xi1>
      %select_n3A_138 = arith.select %or3A_137, %add3A_136, %broadcast_in_dim3A_0 : vector<16xi1>, vector<16xf32>
      %swap3A_139 = arith.constant 0 : index
      %swap3A_140 = tpu.vector_load %arg5[%swap3A_139] {strides = array<i32>} : memref<128xf32, #tpu.memory_space<vmem>>, vector<16xf32>,
      %swap3A_141 = vector.shape_cast %swap3A_140 : vector<16xf32> to vector<16xf32>
      %swap3A_142 = vector.shape_cast %select_n3A_138 : vector<16xf32> to vector<16xf32>
      tpu.vector_store %arg5[%swap3A_139], %swap3A_142 {strides = array<i32>} : memref<128xf32, #tpu.memory_space<vmem>>, vector<16xf32>,
    } else {
    }
    %lt3A = arith.constant 14 : i32
    %lt3A_39 = arith.cmpi slt, %arg1, %lt3A : i32
    %convert_element_type3A_40 = arith.extui %lt3A_39 : i1 to i32
    %cond3A_41 = arith.constant 0 : i32
    %cond3A_42 = arith.cmpi ne, %convert_element_type3A_40, %cond3A_41 : i32
    scf.if %cond3A_42 {
      %mul3A = arith.constant 128 : i32
      %mul3A_48 = arith.muli %arg1, %mul3A : i32
      %run_scoped3A = arith.constant 0 : i32
      "tpu.region"() ({
        %run_scoped3A_49 = tpu.sem_alloc : memref<!tpu.dma_semaphore, #tpu.memory_space<semaphore_mem>>
        %dma_start3A = arith.constant 0 : i32
        %dma_start3A_50 = tpu.memref_slice %arg5[%dma_start3A] : memref<128xf32, #tpu.memory_space<vmem>> -> memref<128xf32, #tpu.memory_space<vmem>>
        %dma_start3A_51 = tpu.memref_slice %arg3[%run_scoped3A, %mul3A_48] : memref<1x1842xf32, #tpu.memory_space<hbm>> -> memref<1x128xf32, #tpu.memory_space<hbm>>
        %dma_start3A_52 = tpu.memref_squeeze %dma_start3A_51 : memref<1x128xf32, #tpu.memory_space<hbm>> -> memref<128xf32, #tpu.memory_space<hbm>>
        %dma_start3A_53 = tpu.memref_slice %arg3[%run_scoped3A, %mul3A_48] : memref<1x1842xf32, #tpu.memory_space<hbm>> -> memref<1x128xf32, #tpu.memory_space<hbm>>
        %dma_start3A_54 = tpu.memref_squeeze %dma_start3A_53 : memref<1x128xf32, #tpu.memory_space<hbm>> -> memref<128xf32, #tpu.memory_space<hbm>>
        %dma_start3A_55 = arith.constant 0 : i32
        %dma_start3A_56 = tpu.memref_slice %arg5[%dma_start3A_55] : memref<128xf32, #tpu.memory_space<vmem>> -> memref<128xf32, #tpu.memory_space<vmem>>
        tpu.enqueue_dma source(%dma_start3A_56 : memref<128xf32, #tpu.memory_space<vmem>>) target(%dma_start3A_54 : memref<128xf32, #tpu.memory_space<hbm>>) target_semaphore(%run_scoped3A_49 : memref<!tpu.dma_semaphore, #tpu.memory_space<semaphore_mem>>)
        %dma_wait3A = arith.constant 0 : i32
        %dma_wait3A_57 = tpu.memref_slice %arg5[%dma_wait3A] : memref<128xf32, #tpu.memory_space<vmem>> -> memref<128xf32, #tpu.memory_space<vmem>>
        %dma_wait3A_58 = tpu.memref_slice %arg3[%run_scoped3A, %mul3A_48] : memref<1x1842xf32, #tpu.memory_space<hbm>> -> memref<1x128xf32, #tpu.memory_space<hbm>>
        %dma_wait3A_59 = tpu.memref_squeeze %dma_wait3A_58 : memref<1x128xf32, #tpu.memory_space<hbm>> -> memref<128xf32, #tpu.memory_space<hbm>>
        %dma_wait3A_60 = tpu.memref_slice %arg3[%run_scoped3A, %mul3A_48] : memref<1x1842xf32, #tpu.memory_space<hbm>> -> memref<1x128xf32, #tpu.memory_space<hbm>>
        %dma_wait3A_61 = tpu.memref_squeeze %dma_wait3A_60 : memref<1x128xf32, #tpu.memory_space<hbm>> -> memref<128xf32, #tpu.memory_space<hbm>>
        %dma_wait3A_62 = arith.constant 0 : i32
        %dma_wait3A_63 = tpu.memref_slice %arg5[%dma_wait3A_62] : memref<128xf32, #tpu.memory_space<vmem>> -> memref<128xf32, #tpu.memory_space<vmem>>
        tpu.wait_dma2 semaphore(%run_scoped3A_49 : memref<!tpu.dma_semaphore, #tpu.memory_space<semaphore_mem>>) src(%dma_wait3A_63 : memref<128xf32, #tpu.memory_space<vmem>>) dst(%dma_wait3A_61 : memref<128xf32, #tpu.memory_space<hbm>>)
        tpu.yield
      }) : () -> ()
    } else {
    }
    %eq3A_43 = arith.constant 14 : i32
    %eq3A_44 = arith.cmpi eq, %arg1, %eq3A_43 : i32
    %convert_element_type3A_45 = arith.extui %eq3A_44 : i1 to i32
    %cond3A_46 = arith.constant 0 : i32
    %cond3A_47 = arith.cmpi ne, %convert_element_type3A_45, %cond3A_46 : i32
    scf.if %cond3A_47 {
      %run_scoped3A = arith.constant 0 : i32
      "tpu.region"() ({
        %run_scoped3A_48 = tpu.sem_alloc : memref<!tpu.dma_semaphore, #tpu.memory_space<semaphore_mem>>
        %dma_start3A = arith.constant 0 : i32
        %dma_start3A_49 = tpu.memref_slice %arg5[%dma_start3A] : memref<128xf32, #tpu.memory_space<vmem>> -> memref<50xf32, #tpu.memory_space<vmem>>
        %dma_start3A_50 = arith.constant 1792 : i32
        %dma_start3A_51 = tpu.memref_slice %arg3[%run_scoped3A, %dma_start3A_50] : memref<1x1842xf32, #tpu.memory_space<hbm>> -> memref<1x50xf32, #tpu.memory_space<hbm>>
        %dma_start3A_52 = tpu.memref_squeeze %dma_start3A_51 : memref<1x50xf32, #tpu.memory_space<hbm>> -> memref<50xf32, #tpu.memory_space<hbm>>
        %dma_start3A_53 = arith.constant 1792 : i32
        %dma_start3A_54 = tpu.memref_slice %arg3[%run_scoped3A, %dma_start3A_53] : memref<1x1842xf32, #tpu.memory_space<hbm>> -> memref<1x50xf32, #tpu.memory_space<hbm>>
        %dma_start3A_55 = tpu.memref_squeeze %dma_start3A_54 : memref<1x50xf32, #tpu.memory_space<hbm>> -> memref<50xf32, #tpu.memory_space<hbm>>
        %dma_start3A_56 = arith.constant 0 : i32
        %dma_start3A_57 = tpu.memref_slice %arg5[%dma_start3A_56] : memref<128xf32, #tpu.memory_space<vmem>> -> memref<50xf32, #tpu.memory_space<vmem>>
        tpu.enqueue_dma source(%dma_start3A_57 : memref<50xf32, #tpu.memory_space<vmem>>) target(%dma_start3A_55 : memref<50xf32, #tpu.memory_space<hbm>>) target_semaphore(%run_scoped3A_48 : memref<!tpu.dma_semaphore, #tpu.memory_space<semaphore_mem>>)
        %dma_wait3A = arith.constant 0 : i32
        %dma_wait3A_58 = tpu.memref_slice %arg5[%dma_wait3A] : memref<128xf32, #tpu.memory_space<vmem>> -> memref<50xf32, #tpu.memory_space<vmem>>
        %dma_wait3A_59 = arith.constant 1792 : i32
        %dma_wait3A_60 = tpu.memref_slice %arg3[%run_scoped3A, %dma_wait3A_59] : memref<1x1842xf32, #tpu.memory_space<hbm>> -> memref<1x50xf32, #tpu.memory_space<hbm>>
        %dma_wait3A_61 = tpu.memref_squeeze %dma_wait3A_60 : memref<1x50xf32, #tpu.memory_space<hbm>> -> memref<50xf32, #tpu.memory_space<hbm>>
        %dma_wait3A_62 = arith.constant 1792 : i32
        %dma_wait3A_63 = tpu.memref_slice %arg3[%run_scoped3A, %dma_wait3A_62] : memref<1x1842xf32, #tpu.memory_space<hbm>> -> memref<1x50xf32, #tpu.memory_space<hbm>>
        %dma_wait3A_64 = tpu.memref_squeeze %dma_wait3A_63 : memref<1x50xf32, #tpu.memory_space<hbm>> -> memref<50xf32, #tpu.memory_space<hbm>>
        %dma_wait3A_65 = arith.constant 0 : i32
        %dma_wait3A_66 = tpu.memref_slice %arg5[%dma_wait3A_65] : memref<128xf32, #tpu.memory_space<vmem>> -> memref<50xf32, #tpu.memory_space<vmem>>
        tpu.wait_dma2 semaphore(%run_scoped3A_48 : memref<!tpu.dma_semaphore, #tpu.memory_space<semaphore_mem>>) src(%dma_wait3A_66 : memref<50xf32, #tpu.memory_space<vmem>>) dst(%dma_wait3A_64 : memref<50xf32, #tpu.memory_space<hbm>>)
        tpu.yield
      }) : () -> ()
    } else {
    }
    return
  }
}

</mosaic_0001>

<sc_bundles>
// kernel: kernel.3.cloned.1.call-start
scs
__scs_entry_jumppad:
0x0: {  	(pc) =	sbr.rel $0x88, $3  }
0x1: {  	(tag) =	ssettag $0x0;
	lr =	simm.s32 $0x1  }
0x2: {  	[smem:$0x3FA0] =	sst lr;
	_ =	strace $0xD0000000  }
0x3: {  	_ = 	snop  }
0x4: {  	_ = 	snop  }
0x5: {  	_ = 	snop  }
0x6: {  	_ = 	snop  }
0x7: {  	_ = 	snop  }
__scs_overlays_trampoline_lowered:
0x8: {  	[smem:$0x3FAF] =	sst s0  }
0x9: {  	[smem:$0x3FB0] =	sst s1  }
0xa: {  	[smem:$0x3FB1] =	sst s2  }
0xb: {  	[smem:$0x3FB2] =	sst s3  }
0xc: {  	[smem:$0x3FB3] =	sst s4  }
0xd: {  	[smem:$0x3FB4] =	sst s5  }
0xe: {  	[smem:$0x3FB5] =	sst s6  }
0xf: {  	[smem:$0x3FB6] =	sst s7  }
0x10: {  	[smem:$0x3FB7] =	sst s8  }
0x11: {  	[smem:$0x3FB8] =	sst s9;
	s0 =	simm.s32 @!p0 $0x0  }
0x12: {  	s1 =	sld [smem:$0x3F9E];
	s0 =	simm.s32 @p0 $0x1  }
0x13: {  	[smem:$0x3FB9] =	sst s0;
	s0 =	simm.s32 @!p1 $0x0  }
0x14: {  	s2 =	sld [smem:$0x3F9D];
	s0 =	simm.s32 @p1 $0x1  }
0x15: {  	[smem:$0x3FBA] =	sst s0;
	s0 =	simm.s32 @!p2 $0x0  }
0x16: {  	s3 =	sld [smem:$0x3FDB];
	s0 =	simm.s32 @p2 $0x1  }
0x17: {  	s4 =	simm.s32 $0x1BF5;
	[smem:$0x3FBC] =	sst s0  }
0x18: {  	s0 =	sld [smem:$0x3F9F];
	_ =	swait.ge [sflag:s4], $0x0  }
0x19: {  	s7 =	sld [smem:$0x3FA0]  }
0x1a: {  	s8 =	sadd.s32 $0xFFFFE003, lr  }
0x1b: {  	s9 =	sadd.s32 $0xFFFFFEF7, lr;
	s5 =	simm.s32 $0xFFFFFFFF;
	p2 =	slt.u32 s8, $0xFFFFF086  }
0x1c: {  	p1 =	slt.u32 s9, $0xF7A;
	s5 =	simm.s32 @!p2 $0x0  }
0x1d: {  	s5 =	simm.s32 @p1 $0x1;
	p0 =	seq.s32 s7, s2  }
0x1e: {  	s7 =	smul.u32 @!p0 $0xF7A, s2;
	p2 =	seq.s32 @!p0 s5, $0x0  }
0x1f: {  	s9 =	smul.u32 $0xF7A, s1;
	s8 =	simm.s32 @!p0 $0x1BF5;
	p2 =	por !p2, p0  }
0x20: {  	[sflag:s8] =	ssyncset.s32 @!p0 $0xFFFFF086;
	s6 =	sadd.s32 @!p0 s3, s7;
	s7 =	simm.s32 @!p0 $0x108  }
0x21: {  	s3 =	sadd.s32 s3, s9;
	s6 =	sadd.s32 @!p0 $0x88, s6;
	s7 =	simm.s32 @p2 $0x1082  }
0x22: {  	[simem:s7], [sflag:s8] =	dma.local @!p0 [hbm:s6], $0xF7A  }
0x23: {  	s9 =	sor.u32 $0xD0000000, s2;
	s6 =	simm.s32 $0x108;
	_ =	swait.ge @!p0 [sflag:s8], $0x0  }
0x24: {  	s3 =	sadd.s32 $0x88, s3;
	s6 =	simm.s32 @!p1 $0x1082;
	[sflag:s4] =	ssyncset.s32 $0xFFFFF086  }
0x25: {  	[simem:s6], [sflag:s4] =	dma.local [hbm:s3], $0xF7A  }
0x26: {  	[smem:$0x3FA0] =	sst s1;
	(tag) =	ssettag s2;
	_ =	strace s9  }
0x27: {  	s1 =	sld [smem:$0x3FB0]  }
0x28: {  	s2 =	sld [smem:$0x3FB1]  }
0x29: {  	s4 =	sld [smem:$0x3FB3]  }
0x2a: {  	p0 =	seq.s32 s5, $0x0;
	s5 =	sld [smem:$0x3FB4]  }
0x2b: {  	s6 =	sld [smem:$0x3FB5]  }
0x2c: {  	s7 =	sld [smem:$0x3FB6]  }
0x2d: {  	s3 =	simm.s32 $0x108;
	s8 =	sld [smem:$0x3FB7]  }
0x2e: {  	s3 =	simm.s32 @!p0 $0x1082;
	s9 =	sld [smem:$0x3FB8]  }
0x2f: {  	lr =	sadd.s32 s0, s3;
	s0 =	sld [smem:$0x3FAF]  }
0x30: {  	s3 =	sld [smem:$0x3FB2]  }
0x31: {  	[smem:$0x3FBB] =	sst s10  }
0x32: {  	s10 =	sld [smem:$0x3FB9];
	_ =	sdelay $0x3  }
0x33: {  	p0 =	seq.s32 s10, $0x1;
	s10 =	sld [smem:$0x3FBB];
	_ =	sdelay $0x3  }
0x34: {  	[smem:$0x3FBB] =	sst s10  }
0x35: {  	s10 =	sld [smem:$0x3FBA];
	_ =	sdelay $0x3  }
0x36: {  	p1 =	seq.s32 s10, $0x1;
	s10 =	sld [smem:$0x3FBB];
	_ =	sdelay $0x3  }
0x37: {  	[smem:$0x3FBB] =	sst s10  }
0x38: {  	s10 =	sld [smem:$0x3FBC]  }
0x39: {  	_ = 	snop;
	(pc) =	sbr.ind lr, $3  }
0x3a: {  	_ = 	snop  }
0x3b: {  	_ = 	snop  }
0x3c: {  	p2 =	seq.s32 s10, $0x1;
	s10 =	sld [smem:$0x3FBB]  }
0x3d: {  	_ =	shalt  }
0x3e: {  	_ =	shalt  }
0x3f: {  	_ =	shalt  }
0x40: {  	_ =	shalt  }
0x41: {  	_ =	shalt  }
0x42: {  	_ =	shalt  }
0x43: {  	_ =	shalt  }
0x44: {  	_ =	shalt  }
0x45: {  	_ =	shalt  }
0x46: {  	_ =	shalt  }
0x47: {  	_ =	shalt  }
0x48: {  	_ =	shalt  }
0x49: {  	_ =	shalt  }
0x4a: {  	_ =	shalt  }
0x4b: {  	_ =	shalt  }
0x4c: {  	_ =	shalt  }
0x4d: {  	_ =	shalt  }
0x4e: {  	_ =	shalt  }
0x4f: {  	_ =	shalt  }
0x50: {  	_ =	shalt  }
0x51: {  	_ =	shalt  }
0x52: {  	_ =	shalt  }
0x53: {  	_ =	shalt  }
0x54: {  	_ =	shalt  }
0x55: {  	_ =	shalt  }
0x56: {  	_ =	shalt  }
0x57: {  	_ =	shalt  }
0x58: {  	_ =	shalt  }
0x59: {  	_ =	shalt  }
0x5a: {  	_ =	shalt  }
0x5b: {  	_ =	shalt  }
0x5c: {  	_ =	shalt  }
0x5d: {  	_ =	shalt  }
0x5e: {  	_ =	shalt  }
0x5f: {  	_ =	shalt  }
0x60: {  	_ =	shalt  }
0x61: {  	_ =	shalt  }
0x62: {  	_ =	shalt  }
0x63: {  	_ =	shalt  }
0x64: {  	_ =	shalt  }
0x65: {  	_ =	shalt  }
0x66: {  	_ =	shalt  }
0x67: {  	_ =	shalt  }
0x68: {  	_ =	shalt  }
0x69: {  	_ =	shalt  }
0x6a: {  	_ =	shalt  }
0x6b: {  	_ =	shalt  }
0x6c: {  	_ =	shalt  }
0x6d: {  	_ =	shalt  }
0x6e: {  	_ =	shalt  }
0x6f: {  	_ =	shalt  }
0x70: {  	_ =	shalt  }
0x71: {  	_ =	shalt  }
0x72: {  	_ =	shalt  }
0x73: {  	_ =	shalt  }
0x74: {  	_ =	shalt  }
0x75: {  	_ =	shalt  }
0x76: {  	_ =	shalt  }
0x77: {  	_ =	shalt  }
0x78: {  	_ =	shalt  }
0x79: {  	_ =	shalt  }
0x7a: {  	_ =	shalt  }
0x7b: {  	_ =	shalt  }
0x7c: {  	_ =	shalt  }
0x7d: {  	_ =	shalt  }
0x7e: {  	_ =	shalt  }
0x7f: {  	_ =	shalt  }
0x80: {  	_ =	shalt  }
0x81: {  	_ =	shalt  }
0x82: {  	_ =	shalt  }
0x83: {  	_ =	shalt  }
0x84: {  	_ =	shalt  }
0x85: {  	_ =	shalt  }
0x86: {  	_ =	shalt  }
0x87: {  	_ =	shalt  }
.Lfunc_end0:
.L_simem_size_0:
called_computation_lowered:
.L_overlay_start_0:
0x88: {  	s0 =	sld [smem:$0x3FD9]  }
0x89: {  	s1 =	sld [smem:$0x3FFE];
	_ =	sdelay $0x3  }
0x8a: {  	s0 =	sadd.s32 s1, s0  }
0x8b: {  	[smem:$0x3FC7] =	sst s0  }
0x8c: {  	_ = 	snop  }
0x8d: {  	s0 =	sld [smem:$0x3FC9]  }
0x8e: {  	s17 =	sld [smem:$0x3FD0];
	(tm) =	ssettm $0x1  }
0x8f: {  	s2 =	sld [smem:$0x3FFB];
	_ =	sdelay $0x3  }
0x90: {  	_ =	strace s2  }
0x91: {  	s2 =	sld [smem:$0x3FFC];
	_ =	sdelay $0x3  }
0x92: {  	_ =	strace s2  }
0x93: {  	s2 =	sld [smem:$0x3FFD];
	_ =	sdelay $0x3  }
0x94: {  	_ =	strace s2  }
0x95: {  	_ =	strace $0x8FFFFFFF  }
0x96: {  	s18 =	sld [smem:$0x3FDB];
	_ =	sdelay $0x1  }
0x97: {  	s3 =	simm.s32 $_scs_section_size  }
0x98: {  	s4 =	simm.s32 $_size__tile_overlayer_lowered;
	s5 =	simm.s32 $_tile_overlayer_lowered  }
0x99: {  	s21 =	simm.s32 $0x1BFF;
	s20 =	sshll.u32 s5, $0x1;
	s2 =	sadd.s32 s3, s18  }
0x9a: {  	s6 =	simm.s32 $0x0;
	s19 =	sshll.u32 s4, $0x1;
	s4 =	sadd.s32 s20, s2  }
0x9b: {  	[timem:s6], [sflag:s21] =	dma.local [hbm:s4], s19  }
0x9c: {  	_ =	swait.ge [sflag:s21], s19  }
0x9d: {  	s3 =	ssub.s32 $0x0, s19;
	[sflag:s21] =	ssyncset.done $0x0  }
0x9e: {  	[sflag:s21] =	ssyncadd.s32 s3;
	_ =	sdelay $0x1  }
0x9f: {  	s22 =	simm.s32 $0x1B8B  }
0xa0: {  	_ =	swait.ge [sflag:s22], $0x1  }
0xa1: {  	[sflag:s22] =	ssyncset.done $0x0  }
0xa2: {  	s23 =	simm.s32 $0x1B8E;
	[sflag:s22] =	ssyncadd.s32 $0xFFFFFFFF  }
0xa3: {  	s24 =	simm.s32 $execute0_lowered;
	[smem:$0x3FD2] =	sst s23  }
0xa4: {  	s3 =	sshll.u32 s24, $0x1;
	_ =	strace $0x80000046;
	[dreg:$0x1] =	wrdreg $0xFFFFFFFF  }
0xa5: {  	s25 =	simm.s32 $_size_execute0_lowered;
	s2 =	sadd.s32 s2, s3;
	[dreg:$0x0] =	wrdreg $0x0  }
0xa6: {  	s3 =	sshll.u32 s25, $0x1;
	[dreg:$0x2] =	wrdreg s2  }
0xa7: {  	[dreg:$0x3] =	wrdreg s3  }
0xa8: {  	[dreg:$0x4] =	wrdreg $0xC0  }
0xa9: {  	_ =	task [dreg:s6], $0x5FFFF  }
0xaa: {  	[dreg:$0x1] =	wrdreg $0xFFFFFFFF  }
0xab: {  	[dreg:$0x0] =	wrdreg $0x60  }
0xac: {  	[dreg:$0x2] =	wrdreg s0  }
0xad: {  	[dreg:$0x3] =	wrdreg s17  }
0xae: {  	[dreg:$0x4] =	wrdreg $0x9  }
0xaf: {  	_ =	task.clear_ibuf [dreg:s6], $0x5FFFF;
	_ =	strace $0x90000046  }
0xb0: {  	s26 =	simm.s32 $0x9;
	_ =	strace $0x80000048  }
0xb1: {  	_ =	swait.ge [sflag:s26], $0x1  }
0xb2: {  	[sflag:s26] =	ssyncadd.s32 $0xFFFFFFFF  }
0xb3: {  	_ =	strace $0x90000048  }
0xb4: {  	_ =	sfence  }
0xb5: {  	s28 =	sld [smem:$0x0];
	_ =	sdelay $0x1  }
0xb6: {  	s29 =	srdreg.scid  }
0xb7: {  	s30 =	sshll.u32 s29, $0xD;
	s31 =	sshrl.u32 s29, $0x2  }
0xb8: {  	s1 =	sand.u32 $0x1, s29;
	s2 =	sand.u32 $0x4000, s30;
	s0 =	sadd.s32 s31, s28  }
0xb9: {  	s1 =	sor.u32 s2, s1;
	s0 =	sshll.u32 s0, $0x11  }
0xba: {  	s0 =	sor.u32 s0, s1  }
0xbb: {  	s0 =	sadd.s32 $0x8F2B, s0  }
0xbc: {  	[sflag:s0] =	ssyncadd.remote.s32 $0x1  }
0xbd: {  	_ =	sfence.sel $0xFFFF  }
0xbe: {  	[dreg:$0x0] =	wrdreg $0xFFFFFFFF;
	(pc) =	sbr.abs _section_cstart, $3  }
0xbf: {  	[dreg:$0x1] =	wrdreg $0xFFFFFFFF  }
0xc0: {  	_ =	task.clear_ibuf [dreg:s6], $0x2FFFF;
	_ =	strace $0x9FFFFFFF  }
0xc1: {  	(tm) =	ssettm $0x7FFFFFFF  }
tec
execute0_lowered:
.L_overlay_start_1:
0x0: {  	(tag) =	ssettag $0x1  }
0x1: {  	s2 =	stileid.u32  }
0x2: {  	p0 =	sne.s32 s2, $0x0  }
.Ltmp0:
0x3: {  	_ = 	snop;
	(pc) =	sbr.rel @!p0 .LBB2_1-.Ltmp0, $4  }
0x4: {  	s3 =	rddreg [dreg:$0x0]  }
0x5: {  	s1 =	rddreg [dreg:$0x1];
	s4 =	simm.s32 $0x0  }
0x6: {  	[smem:$0x7FF] =	sst s4  }
0x7: {  	s0 =	rddreg [dreg:$0x2];
	_ =	strace $0x80000047  }
0x8: {  	v0 =	vimm.f32 $-1.000000000e+04  }
0x9: {  	[tilespmem:$0x80] =	vst v0  }
0xa: {  	[tilespmem:$0x90] =	vst v0  }
0xb: {  	p1 =	sgt.u32 s2, $0xD;
	[tilespmem:$0xA0] =	vst v0  }
.Ltmp1:
0xc: {  	[tilespmem:$0xB0] =	vst v0;
	(pc) =	sbr.rel @!p1 .LBB2_3-.Ltmp1, $4  }
0xd: {  	[tilespmem:$0xC0] =	vst v0  }
0xe: {  	[tilespmem:$0xD0] =	vst v0  }
0xf: {  	[tilespmem:$0xE0] =	vst v0  }
0x10: {  	[tilespmem:$0xF0] =	vst v0  }
0x11: {  	p1 =	sne.s32 s2, $0xE  }
0x12: {  	s1 =	sadd.s32 $0xE0, s1;
	s2 =	simm.s32 @!p1 $0x0;
	s3 =	simm.s32 @!p1 $0x80  }
0x13: {  	[hbm4b:s1+s2] =	stream.linear.scatter @!p1 [tilespmem:s3], [sflag:$0x2], $0x32, $0x38;
	[tilespmem:$0x100] =	vst v63  }
.Ltmp2:
0x14: {  	_ = 	snop;
	(pc) =	sbr.rel .LBB2_5-.Ltmp2, $4  }
0x15: {  	s1 =	simm.s32 @!p1 $0x2  }
0x16: {  	_ =	swait.ge @!p1 [sflag:s1], $0x32  }
0x17: {  	[sflag:s1] =	ssyncset.done @!p1 $0x0  }
0x18: {  	[sflag:s1] =	ssyncadd.s32 @!p1 $0xFFFFFFCE  }
.LBB2_1:
0x19: {  	[tilespmem:s4], [sflag:$0x1] =	stream.linear.gather [hbm4b:s3+s4], $0x1, $0x38;
	[tilespmem:$0x100] =	vst v63  }
0x1a: {  	_ = 	snop  }
0x1b: {  	v0 =	vimm.f32 $-1.000000000e+04;
	[tilespmem:s4], [sflag:$0x1] =	stream.linear.gather [hbm4b:s3+s4], $0x1, $0x38;
	[tilespmem:$0x100] =	vst v63  }
0x1c: {  	[tilespmem:$0x80] =	vst v0  }
0x1d: {  	[tilespmem:$0x90] =	vst v0  }
0x1e: {  	[tilespmem:$0xA0] =	vst v0  }
0x1f: {  	[tilespmem:$0xB0] =	vst v0  }
0x20: {  	[tilespmem:$0xC0] =	vst v0  }
0x21: {  	[tilespmem:$0xD0] =	vst v0  }
0x22: {  	[tilespmem:$0xE0] =	vst v0  }
0x23: {  	s31 =	simm.s32 $0x1;
	[tilespmem:$0xF0] =	vst v0  }
0x24: {  	_ =	swait.ge [sflag:s31], $0x1  }
0x25: {  	[sflag:s31] =	ssyncset.done $0x0  }
0x26: {  	[sflag:s31] =	ssyncadd.s32 $0xFFFFFFFF  }
0x27: {  	v59 =	vld [tilespmem:$0x0];
	_ =	sdelay $0x3  }
0x28: {  	v1 =	vimm.s32 $0x0  }
0x29: {  	v0 =	vperm.xlane v59, v1;
	_ =	sdelay $0x1  }
0x2a: {  	v1 =	vsub.f32 $1.000000000e+00, v0;
	_ =	sdelay $0x1  }
0x2b: {  	v1 =	vmax.f32 v1, $1.000000010e-07  }
0x2c: {  	vm0 =	vcmask $0x2310;
	v0 =	vmax.f32 v0, $1.000000010e-07;
	v1 =	vmin.f32 v1, $9.999998800e-01  }
0x2d: {  	vm1 =	vcmask $0xB28;
	v0 =	vmin.f32 v0, $9.999998800e-01;
	v2 =	vsub.f32 $1.000000000e+00, v1  }
0x2e: {  	vm0 =	vmor vm1, vm0;
	v3 =	vsub.f32 $1.000000000e+00, v0  }
0x2f: {  	vm14 =	vcmask $0xB10;
	v2 =	vsel vm0, $0x3F800000, v2  }
0x30: {  	v2 =	vsel vm14, v2, v3  }
0x31: {  	(erf) = vrcp.f32 v2;
	_ =	sdelay $0x7  }
0x32: {  	v1 =	vsel vm0, $0x3F800000, v1  }
0x33: {  	v0 =	vsel vm14, v1, v0;
	v60 =	vpop (erf)  }
0x34: {  	v0 =	vmul.f32 v60, v0;
	_ =	sdelay $0x1  }
0x35: {  	v1 =	vand.u32 $0x7FFFFF, v0  }
0x36: {  	v1 =	vor.u32 $0x3F800000, v1  }
0x37: {  	v61 =	vmul.f32 $5.000000000e-01, v1  }
0x38: {  	vm15 =	vgt.f32 v1, $1.414213540e+00  }
0x39: {  	v1 =	vsel vm15, v61, v1  }
0x3a: {  	v2 =	vadd.f32 $1.000000000e+00, v1;
	_ =	sdelay $0x1  }
0x3b: {  	(erf) = vrcp.f32 v2;
	_ =	sdelay $0x7  }
0x3c: {  	v1 =	vadd.f32 $-1.000000000e+00, v1  }
0x3d: {  	v2 =	vpop (erf)  }
0x3e: {  	v1 =	vmul.f32 v2, v1;
	_ =	sdelay $0x1  }
0x3f: {  	v2 =	vmul.f32 v1, v1;
	_ =	sdelay $0x1  }
0x40: {  	v62 =	vmul.f32 $1.111111120e-01, v2;
	_ =	sdelay $0x1  }
0x41: {  	v3 =	vadd.f32 $1.428571490e-01, v62;
	_ =	sdelay $0x1  }
0x42: {  	v3 =	vmul.f32 v3, v2;
	_ =	sdelay $0x1  }
0x43: {  	v3 =	vadd.f32 $2.000000030e-01, v3;
	_ =	sdelay $0x1  }
0x44: {  	v3 =	vmul.f32 v3, v2;
	_ =	sdelay $0x1  }
0x45: {  	v3 =	vadd.f32 $3.333333430e-01, v3  }
0x46: {  	v4 =	vimm.s32 $0xFFFFFF81  }
0x47: {  	v0 =	vshra.s32 v0, $0x17;
	v63 =	vsel vm15, $0xFFFFFF82, v4;
	v2 =	vmul.f32 v3, v2  }
0x48: {  	v0 =	vadd.s32 v0, v63  }
0x49: {  	v0 =	vcvt.s32.f32 v0;
	v1 =	vadd.f32 v1, v1;
	v2 =	vadd.f32 $1.000000000e+00, v2;
	_ =	sdelay $0x1  }
0x4a: {  	v0 =	vmul.f32 $6.931471820e-01, v0;
	v1 =	vmul.f32 v2, v1;
	_ =	sdelay $0x1  }
0x4b: {  	v0 =	vadd.f32 v1, v0;
	_ =	sdelay $0x1  }
0x4c: {  	v0 =	vsel vm0, $0xC61C4000, v0  }
0x4d: {  	[tilespmem:$0x80] =	vst v0  }
.LBB2_3:
0x4e: {  	s2 =	sshll.u32 s2, $0x4;
	s30 =	simm.s32 $0x0  }
0x4f: {  	s3 =	simm.s32 $0x80;
	s31 =	simm.s32 $0x2;
	s1 =	sadd.s32 s1, s2  }
0x50: {  	[hbm4b:s1+s30] =	stream.linear.scatter [tilespmem:s3], [sflag:$0x2], $0x80, $0x38;
	[tilespmem:$0x100] =	vst v63  }
0x51: {  	_ =	swait.ge [sflag:s31], $0x80  }
0x52: {  	[sflag:s31] =	ssyncset.done $0x0  }
0x53: {  	[sflag:s31] =	ssyncadd.s32 $0xFFFFFF80  }
.LBB2_5:
0x54: {  	_ =	sfence.sel $0x180000  }
0x55: {  	[bflag:$0x0] =	sbarrier.arrive $0xFFFF  }
0x56: {  	_ =	strace $0x90000047  }
0x57: {  	s0 =	sadd.s32 @!p0 $0x100000, s0;
	[bflag:$0x2] =	sbarrier.arrive $0xFFFF  }
0x58: {  	[sflag:s0] =	ssyncadd.tile.s32 @!p0 $0x1;
	_ =	shalt  }
.Lfunc_end2:
_tile_overlayer_lowered:
.L_overlay_start_2:
0x59: {  	(tag) =	ssettag $0x2  }
0x5a: {  	s0 =	rddreg [dreg:$0x0];
	s2 =	stileid.u32  }
0x5b: {  	s1 =	rddreg [dreg:$0x1];
	p0 =	sne.s32 s2, $0x0  }
0x5c: {  	s3 =	rddreg [dreg:$0x2];
	[bflag:$0x3] =	sbarrier.arrive $0xFFFF;
	s2 =	simm.s32 @!p0 $0x1C02  }
0x5d: {  	[timem:s3], [sflag:s2] =	dma.local @!p0 [hbm:s0], s1  }
0x5e: {  	s0 =	simm.s32 @!p0 $0x2  }
0x5f: {  	_ =	swait.ge @!p0 [sflag:s0], s1  }
0x60: {  	s1 =	ssub.s32 @!p0 $0x0, s1;
	[sflag:s0] =	ssyncset.done @!p0 $0x0  }
0x61: {  	[sflag:s0] =	ssyncadd.s32 @!p0 s1  }
0x62: {  	[bflag:$0x3] =	sbarrier.arrive $0xFFFF  }
0x63: {  	_ =	shalt  }

</sc_bundles>
